<compile_context>
chip_gen: v7x
topology: tpu7x:2x2x1
jax: 0.10.2.dev20260603
libtpu: 0.0.44.dev20260713+nightly
codegen_flags: <defaults>
</compile_context>

<pallas_src>
import functools

import jax
import jax.numpy as jnp
from jax import lax
from jax.experimental import pallas as pl
from jax.experimental.pallas import tpu as pltpu
from jax.experimental.pallas import tpu_sc as plsc

N, D = 16384, 64

_info = plsc.get_sparse_core_info()
NC, NS, L = _info.num_cores, _info.num_subcores, _info.num_lanes
NW = NC * NS
SN = 4096
RS = SN // NW
TPC = RS // L
KI = 32
KO = D // KI

TN = N - SN
TBLK = 4096

_mesh = plsc.VectorSubcoreMesh(core_axis_name="c", subcore_axis_name="s")


@functools.partial(
    pl.kernel,
    mesh=_mesh,
    out_type=jax.ShapeDtypeStruct((SN,), jnp.float32),
    compiler_params=pltpu.CompilerParams(needs_layout_passes=False),
    scratch_types=[
        pltpu.VMEM((D, RS), jnp.float32),
        pltpu.VMEM((D, RS), jnp.float32),
        pltpu.VMEM((RS,), jnp.float32),
        pltpu.SemaphoreType.DMA,
        pltpu.SemaphoreType.DMA,
    ],
)
def _rowdot_sc(gut_hbm, git_hbm, out_hbm, gu_v, gi_v, out_v, su, si):
    wid = lax.axis_index("s") * NC + lax.axis_index("c")
    base = wid * RS
    pltpu.async_copy(gut_hbm.at[:, pl.ds(base, RS)], gu_v, su)
    pltpu.async_copy(git_hbm.at[:, pl.ds(base, RS)], gi_v, si)
    pltpu.make_async_copy(gut_hbm.at[:, pl.ds(0, RS)], gu_v, su).wait()
    pltpu.make_async_copy(git_hbm.at[:, pl.ds(0, RS)], gi_v, si).wait()

    def tbody(t, carry):
        s = pl.multiple_of(t * L, L)

        def kbody(kk, acc):
            k0 = kk * KI
            for k in range(KI):
                acc = acc + (gu_v[k0 + k, pl.ds(s, L)]
                             * gi_v[k0 + k, pl.ds(s, L)])
            return acc

        acc = lax.fori_loop(0, KO, kbody, jnp.zeros((L,), jnp.float32))
        out_v[pl.ds(s, L)] = acc
        return carry

    lax.fori_loop(0, TPC, tbody, 0)
    pltpu.sync_copy(out_v, out_hbm.at[pl.ds(base, RS)])


def _rowdot_tc_body(gu_ref, gi_ref, out_ref):
    out_ref[...] = jnp.sum(gu_ref[...] * gi_ref[...], axis=0)


_rowdot_tc = pl.pallas_call(
    _rowdot_tc_body,
    grid=(TN // TBLK,),
    in_specs=[
        pl.BlockSpec((D, TBLK), lambda g: (0, g + SN // TBLK)),
        pl.BlockSpec((D, TBLK), lambda g: (0, g + SN // TBLK)),
    ],
    out_specs=pl.BlockSpec((TBLK,), lambda g: (g + SN // TBLK)),
    out_shape=jax.ShapeDtypeStruct((N,), jnp.float32),
)


def kernel(gu, gi):
    gut, git = gu.T, gi.T
    sc_out = _rowdot_sc(gut, git)
    tc_full = _rowdot_tc(gut, git)
    return lax.dynamic_update_slice(tc_full, sc_out, (0,))

# --- scband reference (transcript-rebuilt; emitter-appended) ---
"""Pipeline reference for scband-pin-sage-model-14027363189007 (READ-ONLY COPY).

The authoritative reference and input builder live on the scoring server;
editing this copy changes nothing except your own understanding.
"""

import jax, jax.numpy as jnp
import numpy as np


def setup_inputs(seed: int = 0) -> dict:
    key = jax.random.key(seed)
    k1, k2 = jax.random.split(key)
    gu = jax.random.normal(k1, (16384, 64), dtype=jnp.float32)
    gi = jax.random.normal(k2, (16384, 64), dtype=jnp.float32)
    return {"gu": gu, "gi": gi}


def reference(gu, gi):
    # PinSageModel.forward: inputs=(gu, gi)
    # gamma_u = squeeze(gu); gamma_i = squeeze(gi); xui = sum(gamma_u * gamma_i, dim=1)
    gamma_u = jnp.squeeze(gu)
    gamma_i = jnp.squeeze(gi)
    xui = jnp.sum(gamma_u * gamma_i, axis=1)
    return xui

if __name__ == "__main__":
    import jax
    _d = setup_inputs()
    print(jax.jit(kernel)(*tuple(_d.values())))

</pallas_src>

<mosaic_0001>
#map = affine_map<(d0, d1) -> (0, 0)>
#map1 = affine_map<(d0, d1) -> (0)>
module attributes {stable_mosaic.version = 14 : i64} {
  func.func @_rowdot_sc(%arg0: i32, %arg1: i32, %arg2: memref<64x16384xf32, #tpu.memory_space<hbm>>, %arg3: memref<64x16384xf32, #tpu.memory_space<hbm>>, %arg4: memref<4096xf32, #tpu.memory_space<hbm>>, %arg5: memref<64x128xf32, #tpu.memory_space<vmem>>, %arg6: memref<64x128xf32, #tpu.memory_space<vmem>>, %arg7: memref<128xf32, #tpu.memory_space<vmem>>, %arg8: memref<!tpu.dma_semaphore, #tpu.memory_space<semaphore_mem>>, %arg9: memref<!tpu.dma_semaphore, #tpu.memory_space<semaphore_mem>>) attributes {dimension_semantics = [#tpu.dimension_semantics<core_parallel>, #tpu.dimension_semantics<subcore_parallel>], iteration_bounds = array<i64: 2, 16>, scalar_prefetch = 0 : i64, scratch_operands = 5 : i64, tpu.core_type = #tpu.core_type<sc_vector_subcore>, window_params = [{transform_indices = #map}, {transform_indices = #map}, {transform_indices = #map1}]} {
    %mul3A = arith.constant 2 : i32
    %mul3A_0 = arith.muli %arg1, %mul3A : i32
    %add3A = arith.addi %mul3A_0, %arg0 : i32
    %mul3A_1 = arith.constant 128 : i32
    %mul3A_2 = arith.muli %add3A, %mul3A_1 : i32
    %dma_start3A = arith.constant 0 : i32
    %dma_start3A_3 = tpu.memref_slice %arg2[%dma_start3A, %mul3A_2] : memref<64x16384xf32, #tpu.memory_space<hbm>> -> memref<64x128xf32, #tpu.memory_space<hbm>>
    %dma_start3A_4 = arith.constant 0 : i32
    %dma_start3A_5 = tpu.memref_slice %arg2[%dma_start3A_4, %mul3A_2] : memref<64x16384xf32, #tpu.memory_space<hbm>> -> memref<64x128xf32, #tpu.memory_space<hbm>>
    tpu.enqueue_dma source(%dma_start3A_5 : memref<64x128xf32, #tpu.memory_space<hbm>>) target(%arg5 : memref<64x128xf32, #tpu.memory_space<vmem>>) target_semaphore(%arg8 : memref<!tpu.dma_semaphore, #tpu.memory_space<semaphore_mem>>)
    %dma_start3A_6 = arith.constant 0 : i32
    %dma_start3A_7 = tpu.memref_slice %arg3[%dma_start3A_6, %mul3A_2] : memref<64x16384xf32, #tpu.memory_space<hbm>> -> memref<64x128xf32, #tpu.memory_space<hbm>>
    %dma_start3A_8 = arith.constant 0 : i32
    %dma_start3A_9 = tpu.memref_slice %arg3[%dma_start3A_8, %mul3A_2] : memref<64x16384xf32, #tpu.memory_space<hbm>> -> memref<64x128xf32, #tpu.memory_space<hbm>>
    tpu.enqueue_dma source(%dma_start3A_9 : memref<64x128xf32, #tpu.memory_space<hbm>>) target(%arg6 : memref<64x128xf32, #tpu.memory_space<vmem>>) target_semaphore(%arg9 : memref<!tpu.dma_semaphore, #tpu.memory_space<semaphore_mem>>)
    %dma_wait3A = arith.constant 0 : i32
    %dma_wait3A_10 = arith.constant 0 : i32
    %dma_wait3A_11 = tpu.memref_slice %arg2[%dma_wait3A, %dma_wait3A_10] : memref<64x16384xf32, #tpu.memory_space<hbm>> -> memref<64x128xf32, #tpu.memory_space<hbm>>
    %dma_wait3A_12 = arith.constant 0 : i32
    %dma_wait3A_13 = arith.constant 0 : i32
    %dma_wait3A_14 = tpu.memref_slice %arg2[%dma_wait3A_12, %dma_wait3A_13] : memref<64x16384xf32, #tpu.memory_space<hbm>> -> memref<64x128xf32, #tpu.memory_space<hbm>>
    tpu.wait_dma2 semaphore(%arg8 : memref<!tpu.dma_semaphore, #tpu.memory_space<semaphore_mem>>) src(%dma_wait3A_14 : memref<64x128xf32, #tpu.memory_space<hbm>>) dst(%arg5 : memref<64x128xf32, #tpu.memory_space<vmem>>)
    %dma_wait3A_15 = arith.constant 0 : i32
    %dma_wait3A_16 = arith.constant 0 : i32
    %dma_wait3A_17 = tpu.memref_slice %arg3[%dma_wait3A_15, %dma_wait3A_16] : memref<64x16384xf32, #tpu.memory_space<hbm>> -> memref<64x128xf32, #tpu.memory_space<hbm>>
    %dma_wait3A_18 = arith.constant 0 : i32
    %dma_wait3A_19 = arith.constant 0 : i32
    %dma_wait3A_20 = tpu.memref_slice %arg3[%dma_wait3A_18, %dma_wait3A_19] : memref<64x16384xf32, #tpu.memory_space<hbm>> -> memref<64x128xf32, #tpu.memory_space<hbm>>
    tpu.wait_dma2 semaphore(%arg9 : memref<!tpu.dma_semaphore, #tpu.memory_space<semaphore_mem>>) src(%dma_wait3A_20 : memref<64x128xf32, #tpu.memory_space<hbm>>) dst(%arg6 : memref<64x128xf32, #tpu.memory_space<vmem>>)
    %scan3A = arith.constant 0 : i32
    %scan3A_21 = arith.constant 0 : i32
    %scan3A_22 = arith.constant 8 : i32
    %scan3A_23 = arith.addi %scan3A_21, %scan3A_22 : i32
    %scan3A_24 = arith.constant 1 : i32
    scf.for %scan3A_26 = %scan3A_21 to %scan3A_23 step %scan3A_24  : i32 {
      %mul3A_27 = arith.constant 16 : i32
      %mul3A_28 = arith.muli %scan3A_26, %mul3A_27 : i32
      %multiple_of3A = tpu.assume_multiple %mul3A_28, 16 : i32
      %broadcast_in_dim3A = arith.constant 0.000000e+00 : f32
      %broadcast_in_dim3A_29 = vector.broadcast %broadcast_in_dim3A : f32 to vector<16xf32>
      %scan3A_30 = arith.constant 0 : i32
      %scan3A_31 = arith.constant 2 : i32
      %scan3A_32 = arith.addi %scan3A_30, %scan3A_31 : i32
      %scan3A_33 = arith.constant 1 : i32
      %scan3A_34 = scf.for %scan3A_37 = %scan3A_30 to %scan3A_32 step %scan3A_33 iter_args(%scan3A_38 = %broadcast_in_dim3A_29) -> (vector<16xf32>)  : i32 {
        %mul3A_39 = arith.constant 32 : i32
        %mul3A_40 = arith.muli %scan3A_37, %mul3A_39 : i32
        %add3A_41 = arith.constant 0 : i32
        %add3A_42 = arith.addi %mul3A_40, %add3A_41 : i32
        %get3A = arith.index_cast %add3A_42 : i32 to index
        %get3A_43 = arith.index_cast %multiple_of3A : i32 to index
        %get3A_44 = tpu.vector_load %arg5[%get3A, %get3A_43] {strides = array<i32>} : memref<64x128xf32, #tpu.memory_space<vmem>>, vector<16xf32>,
        %add3A_45 = arith.constant 0 : i32
        %add3A_46 = arith.addi %mul3A_40, %add3A_45 : i32
        %get3A_47 = arith.index_cast %add3A_46 : i32 to index
        %get3A_48 = arith.index_cast %multiple_of3A : i32 to index
        %get3A_49 = tpu.vector_load %arg6[%get3A_47, %get3A_48] {strides = array<i32>} : memref<64x128xf32, #tpu.memory_space<vmem>>, vector<16xf32>,
        %mul3A_50 = arith.mulf %get3A_44, %get3A_49 : vector<16xf32>
        %add3A_51 = arith.addf %scan3A_38, %mul3A_50 : vector<16xf32>
        %add3A_52 = arith.constant 1 : i32
        %add3A_53 = arith.addi %mul3A_40, %add3A_52 : i32
        %get3A_54 = arith.index_cast %add3A_53 : i32 to index
        %get3A_55 = arith.index_cast %multiple_of3A : i32 to index
        %get3A_56 = tpu.vector_load %arg5[%get3A_54, %get3A_55] {strides = array<i32>} : memref<64x128xf32, #tpu.memory_space<vmem>>, vector<16xf32>,
        %add3A_57 = arith.constant 1 : i32
        %add3A_58 = arith.addi %mul3A_40, %add3A_57 : i32
        %get3A_59 = arith.index_cast %add3A_58 : i32 to index
        %get3A_60 = arith.index_cast %multiple_of3A : i32 to index
        %get3A_61 = tpu.vector_load %arg6[%get3A_59, %get3A_60] {strides = array<i32>} : memref<64x128xf32, #tpu.memory_space<vmem>>, vector<16xf32>,
        %mul3A_62 = arith.mulf %get3A_56, %get3A_61 : vector<16xf32>
        %add3A_63 = arith.addf %add3A_51, %mul3A_62 : vector<16xf32>
        %add3A_64 = arith.constant 2 : i32
        %add3A_65 = arith.addi %mul3A_40, %add3A_64 : i32
        %get3A_66 = arith.index_cast %add3A_65 : i32 to index
        %get3A_67 = arith.index_cast %multiple_of3A : i32 to index
        %get3A_68 = tpu.vector_load %arg5[%get3A_66, %get3A_67] {strides = array<i32>} : memref<64x128xf32, #tpu.memory_space<vmem>>, vector<16xf32>,
        %add3A_69 = arith.constant 2 : i32
        %add3A_70 = arith.addi %mul3A_40, %add3A_69 : i32
        %get3A_71 = arith.index_cast %add3A_70 : i32 to index
        %get3A_72 = arith.index_cast %multiple_of3A : i32 to index
        %get3A_73 = tpu.vector_load %arg6[%get3A_71, %get3A_72] {strides = array<i32>} : memref<64x128xf32, #tpu.memory_space<vmem>>, vector<16xf32>,
        %mul3A_74 = arith.mulf %get3A_68, %get3A_73 : vector<16xf32>
        %add3A_75 = arith.addf %add3A_63, %mul3A_74 : vector<16xf32>
        %add3A_76 = arith.constant 3 : i32
        %add3A_77 = arith.addi %mul3A_40, %add3A_76 : i32
        %get3A_78 = arith.index_cast %add3A_77 : i32 to index
        %get3A_79 = arith.index_cast %multiple_of3A : i32 to index
        %get3A_80 = tpu.vector_load %arg5[%get3A_78, %get3A_79] {strides = array<i32>} : memref<64x128xf32, #tpu.memory_space<vmem>>, vector<16xf32>,
        %add3A_81 = arith.constant 3 : i32
        %add3A_82 = arith.addi %mul3A_40, %add3A_81 : i32
        %get3A_83 = arith.index_cast %add3A_82 : i32 to index
        %get3A_84 = arith.index_cast %multiple_of3A : i32 to index
        %get3A_85 = tpu.vector_load %arg6[%get3A_83, %get3A_84] {strides = array<i32>} : memref<64x128xf32, #tpu.memory_space<vmem>>, vector<16xf32>,
        %mul3A_86 = arith.mulf %get3A_80, %get3A_85 : vector<16xf32>
        %add3A_87 = arith.addf %add3A_75, %mul3A_86 : vector<16xf32>
        %add3A_88 = arith.constant 4 : i32
        %add3A_89 = arith.addi %mul3A_40, %add3A_88 : i32
        %get3A_90 = arith.index_cast %add3A_89 : i32 to index
        %get3A_91 = arith.index_cast %multiple_of3A : i32 to index
        %get3A_92 = tpu.vector_load %arg5[%get3A_90, %get3A_91] {strides = array<i32>} : memref<64x128xf32, #tpu.memory_space<vmem>>, vector<16xf32>,
        %add3A_93 = arith.constant 4 : i32
        %add3A_94 = arith.addi %mul3A_40, %add3A_93 : i32
        %get3A_95 = arith.index_cast %add3A_94 : i32 to index
        %get3A_96 = arith.index_cast %multiple_of3A : i32 to index
        %get3A_97 = tpu.vector_load %arg6[%get3A_95, %get3A_96] {strides = array<i32>} : memref<64x128xf32, #tpu.memory_space<vmem>>, vector<16xf32>,
        %mul3A_98 = arith.mulf %get3A_92, %get3A_97 : vector<16xf32>
        %add3A_99 = arith.addf %add3A_87, %mul3A_98 : vector<16xf32>
        %add3A_100 = arith.constant 5 : i32
        %add3A_101 = arith.addi %mul3A_40, %add3A_100 : i32
        %get3A_102 = arith.index_cast %add3A_101 : i32 to index
        %get3A_103 = arith.index_cast %multiple_of3A : i32 to index
        %get3A_104 = tpu.vector_load %arg5[%get3A_102, %get3A_103] {strides = array<i32>} : memref<64x128xf32, #tpu.memory_space<vmem>>, vector<16xf32>,
        %add3A_105 = arith.constant 5 : i32
        %add3A_106 = arith.addi %mul3A_40, %add3A_105 : i32
        %get3A_107 = arith.index_cast %add3A_106 : i32 to index
        %get3A_108 = arith.index_cast %multiple_of3A : i32 to index
        %get3A_109 = tpu.vector_load %arg6[%get3A_107, %get3A_108] {strides = array<i32>} : memref<64x128xf32, #tpu.memory_space<vmem>>, vector<16xf32>,
        %mul3A_110 = arith.mulf %get3A_104, %get3A_109 : vector<16xf32>
        %add3A_111 = arith.addf %add3A_99, %mul3A_110 : vector<16xf32>
        %add3A_112 = arith.constant 6 : i32
        %add3A_113 = arith.addi %mul3A_40, %add3A_112 : i32
        %get3A_114 = arith.index_cast %add3A_113 : i32 to index
        %get3A_115 = arith.index_cast %multiple_of3A : i32 to index
        %get3A_116 = tpu.vector_load %arg5[%get3A_114, %get3A_115] {strides = array<i32>} : memref<64x128xf32, #tpu.memory_space<vmem>>, vector<16xf32>,
        %add3A_117 = arith.constant 6 : i32
        %add3A_118 = arith.addi %mul3A_40, %add3A_117 : i32
        %get3A_119 = arith.index_cast %add3A_118 : i32 to index
        %get3A_120 = arith.index_cast %multiple_of3A : i32 to index
        %get3A_121 = tpu.vector_load %arg6[%get3A_119, %get3A_120] {strides = array<i32>} : memref<64x128xf32, #tpu.memory_space<vmem>>, vector<16xf32>,
        %mul3A_122 = arith.mulf %get3A_116, %get3A_121 : vector<16xf32>
        %add3A_123 = arith.addf %add3A_111, %mul3A_122 : vector<16xf32>
        %add3A_124 = arith.constant 7 : i32
        %add3A_125 = arith.addi %mul3A_40, %add3A_124 : i32
        %get3A_126 = arith.index_cast %add3A_125 : i32 to index
        %get3A_127 = arith.index_cast %multiple_of3A : i32 to index
        %get3A_128 = tpu.vector_load %arg5[%get3A_126, %get3A_127] {strides = array<i32>} : memref<64x128xf32, #tpu.memory_space<vmem>>, vector<16xf32>,
        %add3A_129 = arith.constant 7 : i32
        %add3A_130 = arith.addi %mul3A_40, %add3A_129 : i32
        %get3A_131 = arith.index_cast %add3A_130 : i32 to index
        %get3A_132 = arith.index_cast %multiple_of3A : i32 to index
        %get3A_133 = tpu.vector_load %arg6[%get3A_131, %get3A_132] {strides = array<i32>} : memref<64x128xf32, #tpu.memory_space<vmem>>, vector<16xf32>,
        %mul3A_134 = arith.mulf %get3A_128, %get3A_133 : vector<16xf32>
        %add3A_135 = arith.addf %add3A_123, %mul3A_134 : vector<16xf32>
        %add3A_136 = arith.constant 8 : i32
        %add3A_137 = arith.addi %mul3A_40, %add3A_136 : i32
        %get3A_138 = arith.index_cast %add3A_137 : i32 to index
        %get3A_139 = arith.index_cast %multiple_of3A : i32 to index
        %get3A_140 = tpu.vector_load %arg5[%get3A_138, %get3A_139] {strides = array<i32>} : memref<64x128xf32, #tpu.memory_space<vmem>>, vector<16xf32>,
        %add3A_141 = arith.constant 8 : i32
        %add3A_142 = arith.addi %mul3A_40, %add3A_141 : i32
        %get3A_143 = arith.index_cast %add3A_142 : i32 to index
        %get3A_144 = arith.index_cast %multiple_of3A : i32 to index
        %get3A_145 = tpu.vector_load %arg6[%get3A_143, %get3A_144] {strides = array<i32>} : memref<64x128xf32, #tpu.memory_space<vmem>>, vector<16xf32>,
        %mul3A_146 = arith.mulf %get3A_140, %get3A_145 : vector<16xf32>
        %add3A_147 = arith.addf %add3A_135, %mul3A_146 : vector<16xf32>
        %add3A_148 = arith.constant 9 : i32
        %add3A_149 = arith.addi %mul3A_40, %add3A_148 : i32
        %get3A_150 = arith.index_cast %add3A_149 : i32 to index
        %get3A_151 = arith.index_cast %multiple_of3A : i32 to index
        %get3A_152 = tpu.vector_load %arg5[%get3A_150, %get3A_151] {strides = array<i32>} : memref<64x128xf32, #tpu.memory_space<vmem>>, vector<16xf32>,
        %add3A_153 = arith.constant 9 : i32
        %add3A_154 = arith.addi %mul3A_40, %add3A_153 : i32
        %get3A_155 = arith.index_cast %add3A_154 : i32 to index
        %get3A_156 = arith.index_cast %multiple_of3A : i32 to index
        %get3A_157 = tpu.vector_load %arg6[%get3A_155, %get3A_156] {strides = array<i32>} : memref<64x128xf32, #tpu.memory_space<vmem>>, vector<16xf32>,
        %mul3A_158 = arith.mulf %get3A_152, %get3A_157 : vector<16xf32>
        %add3A_159 = arith.addf %add3A_147, %mul3A_158 : vector<16xf32>
        %add3A_160 = arith.constant 10 : i32
        %add3A_161 = arith.addi %mul3A_40, %add3A_160 : i32
        %get3A_162 = arith.index_cast %add3A_161 : i32 to index
        %get3A_163 = arith.index_cast %multiple_of3A : i32 to index
        %get3A_164 = tpu.vector_load %arg5[%get3A_162, %get3A_163] {strides = array<i32>} : memref<64x128xf32, #tpu.memory_space<vmem>>, vector<16xf32>,
        %add3A_165 = arith.constant 10 : i32
        %add3A_166 = arith.addi %mul3A_40, %add3A_165 : i32
        %get3A_167 = arith.index_cast %add3A_166 : i32 to index
        %get3A_168 = arith.index_cast %multiple_of3A : i32 to index
        %get3A_169 = tpu.vector_load %arg6[%get3A_167, %get3A_168] {strides = array<i32>} : memref<64x128xf32, #tpu.memory_space<vmem>>, vector<16xf32>,
        %mul3A_170 = arith.mulf %get3A_164, %get3A_169 : vector<16xf32>
        %add3A_171 = arith.addf %add3A_159, %mul3A_170 : vector<16xf32>
        %add3A_172 = arith.constant 11 : i32
        %add3A_173 = arith.addi %mul3A_40, %add3A_172 : i32
        %get3A_174 = arith.index_cast %add3A_173 : i32 to index
        %get3A_175 = arith.index_cast %multiple_of3A : i32 to index
        %get3A_176 = tpu.vector_load %arg5[%get3A_174, %get3A_175] {strides = array<i32>} : memref<64x128xf32, #tpu.memory_space<vmem>>, vector<16xf32>,
        %add3A_177 = arith.constant 11 : i32
        %add3A_178 = arith.addi %mul3A_40, %add3A_177 : i32
        %get3A_179 = arith.index_cast %add3A_178 : i32 to index
        %get3A_180 = arith.index_cast %multiple_of3A : i32 to index
        %get3A_181 = tpu.vector_load %arg6[%get3A_179, %get3A_180] {strides = array<i32>} : memref<64x128xf32, #tpu.memory_space<vmem>>, vector<16xf32>,
        %mul3A_182 = arith.mulf %get3A_176, %get3A_181 : vector<16xf32>
        %add3A_183 = arith.addf %add3A_171, %mul3A_182 : vector<16xf32>
        %add3A_184 = arith.constant 12 : i32
        %add3A_185 = arith.addi %mul3A_40, %add3A_184 : i32
        %get3A_186 = arith.index_cast %add3A_185 : i32 to index
        %get3A_187 = arith.index_cast %multiple_of3A : i32 to index
        %get3A_188 = tpu.vector_load %arg5[%get3A_186, %get3A_187] {strides = array<i32>} : memref<64x128xf32, #tpu.memory_space<vmem>>, vector<16xf32>,
        %add3A_189 = arith.constant 12 : i32
        %add3A_190 = arith.addi %mul3A_40, %add3A_189 : i32
        %get3A_191 = arith.index_cast %add3A_190 : i32 to index
        %get3A_192 = arith.index_cast %multiple_of3A : i32 to index
        %get3A_193 = tpu.vector_load %arg6[%get3A_191, %get3A_192] {strides = array<i32>} : memref<64x128xf32, #tpu.memory_space<vmem>>, vector<16xf32>,
        %mul3A_194 = arith.mulf %get3A_188, %get3A_193 : vector<16xf32>
        %add3A_195 = arith.addf %add3A_183, %mul3A_194 : vector<16xf32>
        %add3A_196 = arith.constant 13 : i32
        %add3A_197 = arith.addi %mul3A_40, %add3A_196 : i32
        %get3A_198 = arith.index_cast %add3A_197 : i32 to index
        %get3A_199 = arith.index_cast %multiple_of3A : i32 to index
        %get3A_200 = tpu.vector_load %arg5[%get3A_198, %get3A_199] {strides = array<i32>} : memref<64x128xf32, #tpu.memory_space<vmem>>, vector<16xf32>,
        %add3A_201 = arith.constant 13 : i32
        %add3A_202 = arith.addi %mul3A_40, %add3A_201 : i32
        %get3A_203 = arith.index_cast %add3A_202 : i32 to index
        %get3A_204 = arith.index_cast %multiple_of3A : i32 to index
        %get3A_205 = tpu.vector_load %arg6[%get3A_203, %get3A_204] {strides = array<i32>} : memref<64x128xf32, #tpu.memory_space<vmem>>, vector<16xf32>,
        %mul3A_206 = arith.mulf %get3A_200, %get3A_205 : vector<16xf32>
        %add3A_207 = arith.addf %add3A_195, %mul3A_206 : vector<16xf32>
        %add3A_208 = arith.constant 14 : i32
        %add3A_209 = arith.addi %mul3A_40, %add3A_208 : i32
        %get3A_210 = arith.index_cast %add3A_209 : i32 to index
        %get3A_211 = arith.index_cast %multiple_of3A : i32 to index
        %get3A_212 = tpu.vector_load %arg5[%get3A_210, %get3A_211] {strides = array<i32>} : memref<64x128xf32, #tpu.memory_space<vmem>>, vector<16xf32>,
        %add3A_213 = arith.constant 14 : i32
        %add3A_214 = arith.addi %mul3A_40, %add3A_213 : i32
        %get3A_215 = arith.index_cast %add3A_214 : i32 to index
        %get3A_216 = arith.index_cast %multiple_of3A : i32 to index
        %get3A_217 = tpu.vector_load %arg6[%get3A_215, %get3A_216] {strides = array<i32>} : memref<64x128xf32, #tpu.memory_space<vmem>>, vector<16xf32>,
        %mul3A_218 = arith.mulf %get3A_212, %get3A_217 : vector<16xf32>
        %add3A_219 = arith.addf %add3A_207, %mul3A_218 : vector<16xf32>
        %add3A_220 = arith.constant 15 : i32
        %add3A_221 = arith.addi %mul3A_40, %add3A_220 : i32
        %get3A_222 = arith.index_cast %add3A_221 : i32 to index
        %get3A_223 = arith.index_cast %multiple_of3A : i32 to index
        %get3A_224 = tpu.vector_load %arg5[%get3A_222, %get3A_223] {strides = array<i32>} : memref<64x128xf32, #tpu.memory_space<vmem>>, vector<16xf32>,
        %add3A_225 = arith.constant 15 : i32
        %add3A_226 = arith.addi %mul3A_40, %add3A_225 : i32
        %get3A_227 = arith.index_cast %add3A_226 : i32 to index
        %get3A_228 = arith.index_cast %multiple_of3A : i32 to index
        %get3A_229 = tpu.vector_load %arg6[%get3A_227, %get3A_228] {strides = array<i32>} : memref<64x128xf32, #tpu.memory_space<vmem>>, vector<16xf32>,
        %mul3A_230 = arith.mulf %get3A_224, %get3A_229 : vector<16xf32>
        %add3A_231 = arith.addf %add3A_219, %mul3A_230 : vector<16xf32>
        %add3A_232 = arith.constant 16 : i32
        %add3A_233 = arith.addi %mul3A_40, %add3A_232 : i32
        %get3A_234 = arith.index_cast %add3A_233 : i32 to index
        %get3A_235 = arith.index_cast %multiple_of3A : i32 to index
        %get3A_236 = tpu.vector_load %arg5[%get3A_234, %get3A_235] {strides = array<i32>} : memref<64x128xf32, #tpu.memory_space<vmem>>, vector<16xf32>,
        %add3A_237 = arith.constant 16 : i32
        %add3A_238 = arith.addi %mul3A_40, %add3A_237 : i32
        %get3A_239 = arith.index_cast %add3A_238 : i32 to index
        %get3A_240 = arith.index_cast %multiple_of3A : i32 to index
        %get3A_241 = tpu.vector_load %arg6[%get3A_239, %get3A_240] {strides = array<i32>} : memref<64x128xf32, #tpu.memory_space<vmem>>, vector<16xf32>,
        %mul3A_242 = arith.mulf %get3A_236, %get3A_241 : vector<16xf32>
        %add3A_243 = arith.addf %add3A_231, %mul3A_242 : vector<16xf32>
        %add3A_244 = arith.constant 17 : i32
        %add3A_245 = arith.addi %mul3A_40, %add3A_244 : i32
        %get3A_246 = arith.index_cast %add3A_245 : i32 to index
        %get3A_247 = arith.index_cast %multiple_of3A : i32 to index
        %get3A_248 = tpu.vector_load %arg5[%get3A_246, %get3A_247] {strides = array<i32>} : memref<64x128xf32, #tpu.memory_space<vmem>>, vector<16xf32>,
        %add3A_249 = arith.constant 17 : i32
        %add3A_250 = arith.addi %mul3A_40, %add3A_249 : i32
        %get3A_251 = arith.index_cast %add3A_250 : i32 to index
        %get3A_252 = arith.index_cast %multiple_of3A : i32 to index
        %get3A_253 = tpu.vector_load %arg6[%get3A_251, %get3A_252] {strides = array<i32>} : memref<64x128xf32, #tpu.memory_space<vmem>>, vector<16xf32>,
        %mul3A_254 = arith.mulf %get3A_248, %get3A_253 : vector<16xf32>
        %add3A_255 = arith.addf %add3A_243, %mul3A_254 : vector<16xf32>
        %add3A_256 = arith.constant 18 : i32
        %add3A_257 = arith.addi %mul3A_40, %add3A_256 : i32
        %get3A_258 = arith.index_cast %add3A_257 : i32 to index
        %get3A_259 = arith.index_cast %multiple_of3A : i32 to index
        %get3A_260 = tpu.vector_load %arg5[%get3A_258, %get3A_259] {strides = array<i32>} : memref<64x128xf32, #tpu.memory_space<vmem>>, vector<16xf32>,
        %add3A_261 = arith.constant 18 : i32
        %add3A_262 = arith.addi %mul3A_40, %add3A_261 : i32
        %get3A_263 = arith.index_cast %add3A_262 : i32 to index
        %get3A_264 = arith.index_cast %multiple_of3A : i32 to index
        %get3A_265 = tpu.vector_load %arg6[%get3A_263, %get3A_264] {strides = array<i32>} : memref<64x128xf32, #tpu.memory_space<vmem>>, vector<16xf32>,
        %mul3A_266 = arith.mulf %get3A_260, %get3A_265 : vector<16xf32>
        %add3A_267 = arith.addf %add3A_255, %mul3A_266 : vector<16xf32>
        %add3A_268 = arith.constant 19 : i32
        %add3A_269 = arith.addi %mul3A_40, %add3A_268 : i32
        %get3A_270 = arith.index_cast %add3A_269 : i32 to index
        %get3A_271 = arith.index_cast %multiple_of3A : i32 to index
        %get3A_272 = tpu.vector_load %arg5[%get3A_270, %get3A_271] {strides = array<i32>} : memref<64x128xf32, #tpu.memory_space<vmem>>, vector<16xf32>,
        %add3A_273 = arith.constant 19 : i32
        %add3A_274 = arith.addi %mul3A_40, %add3A_273 : i32
        %get3A_275 = arith.index_cast %add3A_274 : i32 to index
        %get3A_276 = arith.index_cast %multiple_of3A : i32 to index
        %get3A_277 = tpu.vector_load %arg6[%get3A_275, %get3A_276] {strides = array<i32>} : memref<64x128xf32, #tpu.memory_space<vmem>>, vector<16xf32>,
        %mul3A_278 = arith.mulf %get3A_272, %get3A_277 : vector<16xf32>
        %add3A_279 = arith.addf %add3A_267, %mul3A_278 : vector<16xf32>
        %add3A_280 = arith.constant 20 : i32
        %add3A_281 = arith.addi %mul3A_40, %add3A_280 : i32
        %get3A_282 = arith.index_cast %add3A_281 : i32 to index
        %get3A_283 = arith.index_cast %multiple_of3A : i32 to index
        %get3A_284 = tpu.vector_load %arg5[%get3A_282, %get3A_283] {strides = array<i32>} : memref<64x128xf32, #tpu.memory_space<vmem>>, vector<16xf32>,
        %add3A_285 = arith.constant 20 : i32
        %add3A_286 = arith.addi %mul3A_40, %add3A_285 : i32
        %get3A_287 = arith.index_cast %add3A_286 : i32 to index
        %get3A_288 = arith.index_cast %multiple_of3A : i32 to index
        %get3A_289 = tpu.vector_load %arg6[%get3A_287, %get3A_288] {strides = array<i32>} : memref<64x128xf32, #tpu.memory_space<vmem>>, vector<16xf32>,
        %mul3A_290 = arith.mulf %get3A_284, %get3A_289 : vector<16xf32>
        %add3A_291 = arith.addf %add3A_279, %mul3A_290 : vector<16xf32>
        %add3A_292 = arith.constant 21 : i32
        %add3A_293 = arith.addi %mul3A_40, %add3A_292 : i32
        %get3A_294 = arith.index_cast %add3A_293 : i32 to index
        %get3A_295 = arith.index_cast %multiple_of3A : i32 to index
        %get3A_296 = tpu.vector_load %arg5[%get3A_294, %get3A_295] {strides = array<i32>} : memref<64x128xf32, #tpu.memory_space<vmem>>, vector<16xf32>,
        %add3A_297 = arith.constant 21 : i32
        %add3A_298 = arith.addi %mul3A_40, %add3A_297 : i32
        %get3A_299 = arith.index_cast %add3A_298 : i32 to index
        %get3A_300 = arith.index_cast %multiple_of3A : i32 to index
        %get3A_301 = tpu.vector_load %arg6[%get3A_299, %get3A_300] {strides = array<i32>} : memref<64x128xf32, #tpu.memory_space<vmem>>, vector<16xf32>,
        %mul3A_302 = arith.mulf %get3A_296, %get3A_301 : vector<16xf32>
        %add3A_303 = arith.addf %add3A_291, %mul3A_302 : vector<16xf32>
        %add3A_304 = arith.constant 22 : i32
        %add3A_305 = arith.addi %mul3A_40, %add3A_304 : i32
        %get3A_306 = arith.index_cast %add3A_305 : i32 to index
        %get3A_307 = arith.index_cast %multiple_of3A : i32 to index
        %get3A_308 = tpu.vector_load %arg5[%get3A_306, %get3A_307] {strides = array<i32>} : memref<64x128xf32, #tpu.memory_space<vmem>>, vector<16xf32>,
        %add3A_309 = arith.constant 22 : i32
        %add3A_310 = arith.addi %mul3A_40, %add3A_309 : i32
        %get3A_311 = arith.index_cast %add3A_310 : i32 to index
        %get3A_312 = arith.index_cast %multiple_of3A : i32 to index
        %get3A_313 = tpu.vector_load %arg6[%get3A_311, %get3A_312] {strides = array<i32>} : memref<64x128xf32, #tpu.memory_space<vmem>>, vector<16xf32>,
        %mul3A_314 = arith.mulf %get3A_308, %get3A_313 : vector<16xf32>
        %add3A_315 = arith.addf %add3A_303, %mul3A_314 : vector<16xf32>
        %add3A_316 = arith.constant 23 : i32
        %add3A_317 = arith.addi %mul3A_40, %add3A_316 : i32
        %get3A_318 = arith.index_cast %add3A_317 : i32 to index
        %get3A_319 = arith.index_cast %multiple_of3A : i32 to index
        %get3A_320 = tpu.vector_load %arg5[%get3A_318, %get3A_319] {strides = array<i32>} : memref<64x128xf32, #tpu.memory_space<vmem>>, vector<16xf32>,
        %add3A_321 = arith.constant 23 : i32
        %add3A_322 = arith.addi %mul3A_40, %add3A_321 : i32
        %get3A_323 = arith.index_cast %add3A_322 : i32 to index
        %get3A_324 = arith.index_cast %multiple_of3A : i32 to index
        %get3A_325 = tpu.vector_load %arg6[%get3A_323, %get3A_324] {strides = array<i32>} : memref<64x128xf32, #tpu.memory_space<vmem>>, vector<16xf32>,
        %mul3A_326 = arith.mulf %get3A_320, %get3A_325 : vector<16xf32>
        %add3A_327 = arith.addf %add3A_315, %mul3A_326 : vector<16xf32>
        %add3A_328 = arith.constant 24 : i32
        %add3A_329 = arith.addi %mul3A_40, %add3A_328 : i32
        %get3A_330 = arith.index_cast %add3A_329 : i32 to index
        %get3A_331 = arith.index_cast %multiple_of3A : i32 to index
        %get3A_332 = tpu.vector_load %arg5[%get3A_330, %get3A_331] {strides = array<i32>} : memref<64x128xf32, #tpu.memory_space<vmem>>, vector<16xf32>,
        %add3A_333 = arith.constant 24 : i32
        %add3A_334 = arith.addi %mul3A_40, %add3A_333 : i32
        %get3A_335 = arith.index_cast %add3A_334 : i32 to index
        %get3A_336 = arith.index_cast %multiple_of3A : i32 to index
        %get3A_337 = tpu.vector_load %arg6[%get3A_335, %get3A_336] {strides = array<i32>} : memref<64x128xf32, #tpu.memory_space<vmem>>, vector<16xf32>,
        %mul3A_338 = arith.mulf %get3A_332, %get3A_337 : vector<16xf32>
        %add3A_339 = arith.addf %add3A_327, %mul3A_338 : vector<16xf32>
        %add3A_340 = arith.constant 25 : i32
        %add3A_341 = arith.addi %mul3A_40, %add3A_340 : i32
        %get3A_342 = arith.index_cast %add3A_341 : i32 to index
        %get3A_343 = arith.index_cast %multiple_of3A : i32 to index
        %get3A_344 = tpu.vector_load %arg5[%get3A_342, %get3A_343] {strides = array<i32>} : memref<64x128xf32, #tpu.memory_space<vmem>>, vector<16xf32>,
        %add3A_345 = arith.constant 25 : i32
        %add3A_346 = arith.addi %mul3A_40, %add3A_345 : i32
        %get3A_347 = arith.index_cast %add3A_346 : i32 to index
        %get3A_348 = arith.index_cast %multiple_of3A : i32 to index
        %get3A_349 = tpu.vector_load %arg6[%get3A_347, %get3A_348] {strides = array<i32>} : memref<64x128xf32, #tpu.memory_space<vmem>>, vector<16xf32>,
        %mul3A_350 = arith.mulf %get3A_344, %get3A_349 : vector<16xf32>
        %add3A_351 = arith.addf %add3A_339, %mul3A_350 : vector<16xf32>
        %add3A_352 = arith.constant 26 : i32
        %add3A_353 = arith.addi %mul3A_40, %add3A_352 : i32
        %get3A_354 = arith.index_cast %add3A_353 : i32 to index
        %get3A_355 = arith.index_cast %multiple_of3A : i32 to index
        %get3A_356 = tpu.vector_load %arg5[%get3A_354, %get3A_355] {strides = array<i32>} : memref<64x128xf32, #tpu.memory_space<vmem>>, vector<16xf32>,
        %add3A_357 = arith.constant 26 : i32
        %add3A_358 = arith.addi %mul3A_40, %add3A_357 : i32
        %get3A_359 = arith.index_cast %add3A_358 : i32 to index
        %get3A_360 = arith.index_cast %multiple_of3A : i32 to index
        %get3A_361 = tpu.vector_load %arg6[%get3A_359, %get3A_360] {strides = array<i32>} : memref<64x128xf32, #tpu.memory_space<vmem>>, vector<16xf32>,
        %mul3A_362 = arith.mulf %get3A_356, %get3A_361 : vector<16xf32>
        %add3A_363 = arith.addf %add3A_351, %mul3A_362 : vector<16xf32>
        %add3A_364 = arith.constant 27 : i32
        %add3A_365 = arith.addi %mul3A_40, %add3A_364 : i32
        %get3A_366 = arith.index_cast %add3A_365 : i32 to index
        %get3A_367 = arith.index_cast %multiple_of3A : i32 to index
        %get3A_368 = tpu.vector_load %arg5[%get3A_366, %get3A_367] {strides = array<i32>} : memref<64x128xf32, #tpu.memory_space<vmem>>, vector<16xf32>,
        %add3A_369 = arith.constant 27 : i32
        %add3A_370 = arith.addi %mul3A_40, %add3A_369 : i32
        %get3A_371 = arith.index_cast %add3A_370 : i32 to index
        %get3A_372 = arith.index_cast %multiple_of3A : i32 to index
        %get3A_373 = tpu.vector_load %arg6[%get3A_371, %get3A_372] {strides = array<i32>} : memref<64x128xf32, #tpu.memory_space<vmem>>, vector<16xf32>,
        %mul3A_374 = arith.mulf %get3A_368, %get3A_373 : vector<16xf32>
        %add3A_375 = arith.addf %add3A_363, %mul3A_374 : vector<16xf32>
        %add3A_376 = arith.constant 28 : i32
        %add3A_377 = arith.addi %mul3A_40, %add3A_376 : i32
        %get3A_378 = arith.index_cast %add3A_377 : i32 to index
        %get3A_379 = arith.index_cast %multiple_of3A : i32 to index
        %get3A_380 = tpu.vector_load %arg5[%get3A_378, %get3A_379] {strides = array<i32>} : memref<64x128xf32, #tpu.memory_space<vmem>>, vector<16xf32>,
        %add3A_381 = arith.constant 28 : i32
        %add3A_382 = arith.addi %mul3A_40, %add3A_381 : i32
        %get3A_383 = arith.index_cast %add3A_382 : i32 to index
        %get3A_384 = arith.index_cast %multiple_of3A : i32 to index
        %get3A_385 = tpu.vector_load %arg6[%get3A_383, %get3A_384] {strides = array<i32>} : memref<64x128xf32, #tpu.memory_space<vmem>>, vector<16xf32>,
        %mul3A_386 = arith.mulf %get3A_380, %get3A_385 : vector<16xf32>
        %add3A_387 = arith.addf %add3A_375, %mul3A_386 : vector<16xf32>
        %add3A_388 = arith.constant 29 : i32
        %add3A_389 = arith.addi %mul3A_40, %add3A_388 : i32
        %get3A_390 = arith.index_cast %add3A_389 : i32 to index
        %get3A_391 = arith.index_cast %multiple_of3A : i32 to index
        %get3A_392 = tpu.vector_load %arg5[%get3A_390, %get3A_391] {strides = array<i32>} : memref<64x128xf32, #tpu.memory_space<vmem>>, vector<16xf32>,
        %add3A_393 = arith.constant 29 : i32
        %add3A_394 = arith.addi %mul3A_40, %add3A_393 : i32
        %get3A_395 = arith.index_cast %add3A_394 : i32 to index
        %get3A_396 = arith.index_cast %multiple_of3A : i32 to index
        %get3A_397 = tpu.vector_load %arg6[%get3A_395, %get3A_396] {strides = array<i32>} : memref<64x128xf32, #tpu.memory_space<vmem>>, vector<16xf32>,
        %mul3A_398 = arith.mulf %get3A_392, %get3A_397 : vector<16xf32>
        %add3A_399 = arith.addf %add3A_387, %mul3A_398 : vector<16xf32>
        %add3A_400 = arith.constant 30 : i32
        %add3A_401 = arith.addi %mul3A_40, %add3A_400 : i32
        %get3A_402 = arith.index_cast %add3A_401 : i32 to index
        %get3A_403 = arith.index_cast %multiple_of3A : i32 to index
        %get3A_404 = tpu.vector_load %arg5[%get3A_402, %get3A_403] {strides = array<i32>} : memref<64x128xf32, #tpu.memory_space<vmem>>, vector<16xf32>,
        %add3A_405 = arith.constant 30 : i32
        %add3A_406 = arith.addi %mul3A_40, %add3A_405 : i32
        %get3A_407 = arith.index_cast %add3A_406 : i32 to index
        %get3A_408 = arith.index_cast %multiple_of3A : i32 to index
        %get3A_409 = tpu.vector_load %arg6[%get3A_407, %get3A_408] {strides = array<i32>} : memref<64x128xf32, #tpu.memory_space<vmem>>, vector<16xf32>,
        %mul3A_410 = arith.mulf %get3A_404, %get3A_409 : vector<16xf32>
        %add3A_411 = arith.addf %add3A_399, %mul3A_410 : vector<16xf32>
        %add3A_412 = arith.constant 31 : i32
        %add3A_413 = arith.addi %mul3A_40, %add3A_412 : i32
        %get3A_414 = arith.index_cast %add3A_413 : i32 to index
        %get3A_415 = arith.index_cast %multiple_of3A : i32 to index
        %get3A_416 = tpu.vector_load %arg5[%get3A_414, %get3A_415] {strides = array<i32>} : memref<64x128xf32, #tpu.memory_space<vmem>>, vector<16xf32>,
        %add3A_417 = arith.constant 31 : i32
        %add3A_418 = arith.addi %mul3A_40, %add3A_417 : i32
        %get3A_419 = arith.index_cast %add3A_418 : i32 to index
        %get3A_420 = arith.index_cast %multiple_of3A : i32 to index
        %get3A_421 = tpu.vector_load %arg6[%get3A_419, %get3A_420] {strides = array<i32>} : memref<64x128xf32, #tpu.memory_space<vmem>>, vector<16xf32>,
        %mul3A_422 = arith.mulf %get3A_416, %get3A_421 : vector<16xf32>
        %add3A_423 = arith.addf %add3A_411, %mul3A_422 : vector<16xf32>
        scf.yield %add3A_423 : vector<16xf32>
      }
      %scan3A_35 = arith.constant 2 : i32
      %swap3A = arith.index_cast %multiple_of3A : i32 to index
      %swap3A_36 = tpu.vector_load %arg7[%swap3A] {strides = array<i32>} : memref<128xf32, #tpu.memory_space<vmem>>, vector<16xf32>,
      tpu.vector_store %arg7[%swap3A], %scan3A_34 {strides = array<i32>} : memref<128xf32, #tpu.memory_space<vmem>>, vector<16xf32>,
    }
    %scan3A_25 = arith.constant 8 : i32
    "tpu.region"() ({
      %run_scoped3A = tpu.sem_alloc : memref<!tpu.dma_semaphore, #tpu.memory_space<semaphore_mem>>
      %dma_start3A_26 = tpu.memref_slice %arg4[%mul3A_2] : memref<4096xf32, #tpu.memory_space<hbm>> -> memref<128xf32, #tpu.memory_space<hbm>>
      %dma_start3A_27 = tpu.memref_slice %arg4[%mul3A_2] : memref<4096xf32, #tpu.memory_space<hbm>> -> memref<128xf32, #tpu.memory_space<hbm>>
      tpu.enqueue_dma source(%arg7 : memref<128xf32, #tpu.memory_space<vmem>>) target(%dma_start3A_27 : memref<128xf32, #tpu.memory_space<hbm>>) target_semaphore(%run_scoped3A : memref<!tpu.dma_semaphore, #tpu.memory_space<semaphore_mem>>)
      %dma_wait3A_28 = tpu.memref_slice %arg4[%mul3A_2] : memref<4096xf32, #tpu.memory_space<hbm>> -> memref<128xf32, #tpu.memory_space<hbm>>
      %dma_wait3A_29 = tpu.memref_slice %arg4[%mul3A_2] : memref<4096xf32, #tpu.memory_space<hbm>> -> memref<128xf32, #tpu.memory_space<hbm>>
      tpu.wait_dma2 semaphore(%run_scoped3A : memref<!tpu.dma_semaphore, #tpu.memory_space<semaphore_mem>>) src(%arg7 : memref<128xf32, #tpu.memory_space<vmem>>) dst(%dma_wait3A_29 : memref<128xf32, #tpu.memory_space<hbm>>)
      tpu.yield
    }) : () -> ()
    return
  }
}

module attributes {stable_mosaic.version = 14 : i64} {
  func.func @_rowdot_tc_body(%arg0: i32, %arg1: memref<64x4096xf32, #tpu.memory_space<vmem>>, %arg2: memref<64x4096xf32, #tpu.memory_space<vmem>>, %arg3: memref<4096xf32, #tpu.memory_space<vmem>>) attributes {dimension_semantics = [#tpu.dimension_semantics<arbitrary>], iteration_bounds = array<i64: 3>, scalar_prefetch = 0 : i64, scratch_operands = 0 : i64, tpu.core_type = #tpu.core_type<tc>, window_params = [{transform_indices = @transform_0, window_bounds = array<i64: 64, 4096>}, {transform_indices = @transform_1, window_bounds = array<i64: 64, 4096>}, {transform_indices = @transform_2, window_bounds = array<i64: 4096>}]} {
    %get3A = arith.constant 0 : index
    %get3A_0 = arith.constant 0 : index
    %get3A_1 = vector.load %arg1[%get3A, %get3A_0] : memref<64x4096xf32, #tpu.memory_space<vmem>>, vector<64x4096xf32>
    %get3A_2 = arith.constant 0 : index
    %get3A_3 = arith.constant 0 : index
    %get3A_4 = vector.load %arg2[%get3A_2, %get3A_3] : memref<64x4096xf32, #tpu.memory_space<vmem>>, vector<64x4096xf32>
    %mul3A = arith.mulf %get3A_1, %get3A_4 : vector<64x4096xf32>
    %reduce_sum3A = arith.constant dense<0.000000e+00> : vector<4096xf32>
    %reduce_sum3A_5 = vector.multi_reduction <add>, %mul3A, %reduce_sum3A [0] : vector<64x4096xf32> to vector<4096xf32>
    %swap3A = arith.constant 0 : index
    %swap3A_6 = vector.load %arg3[%swap3A] : memref<4096xf32, #tpu.memory_space<vmem>>, vector<4096xf32>
    tpu.vector_store %arg3[%swap3A], %reduce_sum3A_5 {strides = array<i32>} : memref<4096xf32, #tpu.memory_space<vmem>>, vector<4096xf32>,
    return
  }
  func.func @transform_0(%arg0: i32) -> (i32, i32) {
    %add3A = arith.constant 1 : i32
    %add3A_0 = arith.addi %arg0, %add3A : i32
    %c0_i32 = arith.constant 0 : i32
    %c0_i32_1 = arith.constant 0 : i32
    return %c0_i32, %add3A_0 : i32, i32
  }
  func.func @transform_1(%arg0: i32) -> (i32, i32) {
    %add3A = arith.constant 1 : i32
    %add3A_0 = arith.addi %arg0, %add3A : i32
    %c0_i32 = arith.constant 0 : i32
    %c0_i32_1 = arith.constant 0 : i32
    return %c0_i32, %add3A_0 : i32, i32
  }
  func.func @transform_2(%arg0: i32) -> i32 {
    %add3A = arith.constant 1 : i32
    %add3A_0 = arith.addi %arg0, %add3A : i32
    %c0_i32 = arith.constant 0 : i32
    return %add3A_0 : i32
  }
}

</mosaic_0001>

<sc_bundles>
// kernel: kernel.4.cloned.1.call-start
scs
__scs_entry_jumppad:
0x0: {  	(pc) =	sbr.rel $0x88, $3  }
0x1: {  	(tag) =	ssettag $0x0;
	lr =	simm.s32 $0x1  }
0x2: {  	[smem:$0x3F9F] =	sst lr;
	_ =	strace $0xD0000000  }
0x3: {  	_ = 	snop  }
0x4: {  	_ = 	snop  }
0x5: {  	_ = 	snop  }
0x6: {  	_ = 	snop  }
0x7: {  	_ = 	snop  }
__scs_overlays_trampoline_lowered:
0x8: {  	[smem:$0x3FAE] =	sst s0  }
0x9: {  	[smem:$0x3FAF] =	sst s1  }
0xa: {  	[smem:$0x3FB0] =	sst s2  }
0xb: {  	[smem:$0x3FB1] =	sst s3  }
0xc: {  	[smem:$0x3FB2] =	sst s4  }
0xd: {  	[smem:$0x3FB3] =	sst s5  }
0xe: {  	[smem:$0x3FB4] =	sst s6  }
0xf: {  	[smem:$0x3FB5] =	sst s7  }
0x10: {  	[smem:$0x3FB6] =	sst s8  }
0x11: {  	[smem:$0x3FB7] =	sst s9;
	s0 =	simm.s32 @!p0 $0x0  }
0x12: {  	s1 =	sld [smem:$0x3F9D];
	s0 =	simm.s32 @p0 $0x1  }
0x13: {  	[smem:$0x3FB8] =	sst s0;
	s0 =	simm.s32 @!p1 $0x0  }
0x14: {  	s2 =	sld [smem:$0x3F9C];
	s0 =	simm.s32 @p1 $0x1  }
0x15: {  	[smem:$0x3FB9] =	sst s0;
	s0 =	simm.s32 @!p2 $0x0  }
0x16: {  	s3 =	sld [smem:$0x3FDB];
	s0 =	simm.s32 @p2 $0x1  }
0x17: {  	s4 =	simm.s32 $0x1BF5;
	[smem:$0x3FBB] =	sst s0  }
0x18: {  	s0 =	sld [smem:$0x3F9E];
	_ =	swait.ge [sflag:s4], $0x0  }
0x19: {  	s7 =	sld [smem:$0x3F9F]  }
0x1a: {  	s8 =	sadd.s32 $0xFFFFE003, lr  }
0x1b: {  	s9 =	sadd.s32 $0xFFFFFEF7, lr;
	s5 =	simm.s32 $0xFFFFFFFF;
	p2 =	slt.u32 s8, $0xFFFFF086  }
0x1c: {  	p1 =	slt.u32 s9, $0xF7A;
	s5 =	simm.s32 @!p2 $0x0  }
0x1d: {  	s5 =	simm.s32 @p1 $0x1;
	p0 =	seq.s32 s7, s2  }
0x1e: {  	s7 =	smul.u32 @!p0 $0xF7A, s2;
	p2 =	seq.s32 @!p0 s5, $0x0  }
0x1f: {  	s9 =	smul.u32 $0xF7A, s1;
	s8 =	simm.s32 @!p0 $0x1BF5;
	p2 =	por !p2, p0  }
0x20: {  	[sflag:s8] =	ssyncset.s32 @!p0 $0xFFFFF086;
	s6 =	sadd.s32 @!p0 s3, s7;
	s7 =	simm.s32 @!p0 $0x108  }
0x21: {  	s3 =	sadd.s32 s3, s9;
	s6 =	sadd.s32 @!p0 $0x88, s6;
	s7 =	simm.s32 @p2 $0x1082  }
0x22: {  	[simem:s7], [sflag:s8] =	dma.local @!p0 [hbm:s6], $0xF7A  }
0x23: {  	s9 =	sor.u32 $0xD0000000, s2;
	s6 =	simm.s32 $0x108;
	_ =	swait.ge @!p0 [sflag:s8], $0x0  }
0x24: {  	s3 =	sadd.s32 $0x88, s3;
	s6 =	simm.s32 @!p1 $0x1082;
	[sflag:s4] =	ssyncset.s32 $0xFFFFF086  }
0x25: {  	[simem:s6], [sflag:s4] =	dma.local [hbm:s3], $0xF7A  }
0x26: {  	[smem:$0x3F9F] =	sst s1;
	(tag) =	ssettag s2;
	_ =	strace s9  }
0x27: {  	s1 =	sld [smem:$0x3FAF]  }
0x28: {  	s2 =	sld [smem:$0x3FB0]  }
0x29: {  	s4 =	sld [smem:$0x3FB2]  }
0x2a: {  	p0 =	seq.s32 s5, $0x0;
	s5 =	sld [smem:$0x3FB3]  }
0x2b: {  	s6 =	sld [smem:$0x3FB4]  }
0x2c: {  	s7 =	sld [smem:$0x3FB5]  }
0x2d: {  	s3 =	simm.s32 $0x108;
	s8 =	sld [smem:$0x3FB6]  }
0x2e: {  	s3 =	simm.s32 @!p0 $0x1082;
	s9 =	sld [smem:$0x3FB7]  }
0x2f: {  	lr =	sadd.s32 s0, s3;
	s0 =	sld [smem:$0x3FAE]  }
0x30: {  	s3 =	sld [smem:$0x3FB1]  }
0x31: {  	[smem:$0x3FBA] =	sst s10  }
0x32: {  	s10 =	sld [smem:$0x3FB8];
	_ =	sdelay $0x3  }
0x33: {  	p0 =	seq.s32 s10, $0x1;
	s10 =	sld [smem:$0x3FBA];
	_ =	sdelay $0x3  }
0x34: {  	[smem:$0x3FBA] =	sst s10  }
0x35: {  	s10 =	sld [smem:$0x3FB9];
	_ =	sdelay $0x3  }
0x36: {  	p1 =	seq.s32 s10, $0x1;
	s10 =	sld [smem:$0x3FBA];
	_ =	sdelay $0x3  }
0x37: {  	[smem:$0x3FBA] =	sst s10  }
0x38: {  	s10 =	sld [smem:$0x3FBB]  }
0x39: {  	_ = 	snop;
	(pc) =	sbr.ind lr, $3  }
0x3a: {  	_ = 	snop  }
0x3b: {  	_ = 	snop  }
0x3c: {  	p2 =	seq.s32 s10, $0x1;
	s10 =	sld [smem:$0x3FBA]  }
0x3d: {  	_ =	shalt  }
0x3e: {  	_ =	shalt  }
0x3f: {  	_ =	shalt  }
0x40: {  	_ =	shalt  }
0x41: {  	_ =	shalt  }
0x42: {  	_ =	shalt  }
0x43: {  	_ =	shalt  }
0x44: {  	_ =	shalt  }
0x45: {  	_ =	shalt  }
0x46: {  	_ =	shalt  }
0x47: {  	_ =	shalt  }
0x48: {  	_ =	shalt  }
0x49: {  	_ =	shalt  }
0x4a: {  	_ =	shalt  }
0x4b: {  	_ =	shalt  }
0x4c: {  	_ =	shalt  }
0x4d: {  	_ =	shalt  }
0x4e: {  	_ =	shalt  }
0x4f: {  	_ =	shalt  }
0x50: {  	_ =	shalt  }
0x51: {  	_ =	shalt  }
0x52: {  	_ =	shalt  }
0x53: {  	_ =	shalt  }
0x54: {  	_ =	shalt  }
0x55: {  	_ =	shalt  }
0x56: {  	_ =	shalt  }
0x57: {  	_ =	shalt  }
0x58: {  	_ =	shalt  }
0x59: {  	_ =	shalt  }
0x5a: {  	_ =	shalt  }
0x5b: {  	_ =	shalt  }
0x5c: {  	_ =	shalt  }
0x5d: {  	_ =	shalt  }
0x5e: {  	_ =	shalt  }
0x5f: {  	_ =	shalt  }
0x60: {  	_ =	shalt  }
0x61: {  	_ =	shalt  }
0x62: {  	_ =	shalt  }
0x63: {  	_ =	shalt  }
0x64: {  	_ =	shalt  }
0x65: {  	_ =	shalt  }
0x66: {  	_ =	shalt  }
0x67: {  	_ =	shalt  }
0x68: {  	_ =	shalt  }
0x69: {  	_ =	shalt  }
0x6a: {  	_ =	shalt  }
0x6b: {  	_ =	shalt  }
0x6c: {  	_ =	shalt  }
0x6d: {  	_ =	shalt  }
0x6e: {  	_ =	shalt  }
0x6f: {  	_ =	shalt  }
0x70: {  	_ =	shalt  }
0x71: {  	_ =	shalt  }
0x72: {  	_ =	shalt  }
0x73: {  	_ =	shalt  }
0x74: {  	_ =	shalt  }
0x75: {  	_ =	shalt  }
0x76: {  	_ =	shalt  }
0x77: {  	_ =	shalt  }
0x78: {  	_ =	shalt  }
0x79: {  	_ =	shalt  }
0x7a: {  	_ =	shalt  }
0x7b: {  	_ =	shalt  }
0x7c: {  	_ =	shalt  }
0x7d: {  	_ =	shalt  }
0x7e: {  	_ =	shalt  }
0x7f: {  	_ =	shalt  }
0x80: {  	_ =	shalt  }
0x81: {  	_ =	shalt  }
0x82: {  	_ =	shalt  }
0x83: {  	_ =	shalt  }
0x84: {  	_ =	shalt  }
0x85: {  	_ =	shalt  }
0x86: {  	_ =	shalt  }
0x87: {  	_ =	shalt  }
.Lfunc_end0:
.L_simem_size_0:
called_computation_lowered:
.L_overlay_start_0:
0x88: {  	s2 =	sld [smem:$0x3FD9]  }
0x89: {  	s3 =	sld [smem:$0x3FFE];
	_ =	sdelay $0x1  }
0x8a: {  	s1 =	srdreg.scid  }
0x8b: {  	s0 =	sand.u32 $0x1, s1  }
0x8c: {  	s17 =	sshll.u32 s0, $0xA;
	s2 =	sadd.s32 s3, s2  }
0x8d: {  	s2 =	sadd.s32 s2, s17  }
0x8e: {  	[smem:$0x3FC6] =	sst s2  }
0x8f: {  	_ = 	snop  }
0x90: {  	s2 =	sld [smem:$0x3FC9]  }
0x91: {  	s18 =	sld [smem:$0x3FC8];
	(tm) =	ssettm $0x1  }
0x92: {  	s4 =	sld [smem:$0x3FFB];
	_ =	sdelay $0x3  }
0x93: {  	_ =	strace s4  }
0x94: {  	s4 =	sld [smem:$0x3FFC];
	_ =	sdelay $0x3  }
0x95: {  	_ =	strace s4  }
0x96: {  	s4 =	sld [smem:$0x3FFD];
	_ =	sdelay $0x3  }
0x97: {  	_ =	strace s4  }
0x98: {  	_ =	strace $0x8FFFFFFF  }
0x99: {  	s19 =	sld [smem:$0x3FDB];
	_ =	sdelay $0x1  }
0x9a: {  	s5 =	simm.s32 $_scs_section_size  }
0x9b: {  	s6 =	simm.s32 $_size__tile_overlayer_lowered;
	s7 =	simm.s32 $_tile_overlayer_lowered  }
0x9c: {  	s22 =	simm.s32 $0x1BFF;
	s21 =	sshll.u32 s7, $0x1;
	s4 =	sadd.s32 s5, s19  }
0x9d: {  	s8 =	simm.s32 $0x0;
	s20 =	sshll.u32 s6, $0x1;
	s6 =	sadd.s32 s21, s4  }
0x9e: {  	[timem:s8], [sflag:s22] =	dma.local [hbm:s6], s20  }
0x9f: {  	_ =	swait.ge [sflag:s22], s20  }
0xa0: {  	s5 =	ssub.s32 $0x0, s20;
	[sflag:s22] =	ssyncset.done $0x0  }
0xa1: {  	[sflag:s22] =	ssyncadd.s32 s5;
	_ =	sdelay $0x1  }
0xa2: {  	s23 =	simm.s32 $0x1B8B  }
0xa3: {  	_ =	swait.ge [sflag:s23], $0x1  }
0xa4: {  	[sflag:s23] =	ssyncset.done $0x0  }
0xa5: {  	s25 =	simm.s32 $0x1B8E;
	s24 =	sld [smem:$0x3FFE];
	[sflag:s23] =	ssyncadd.s32 $0xFFFFFFFF  }
0xa6: {  	s26 =	simm.s32 $execute0_lowered;
	[smem:$0x3FD2] =	sst s25  }
0xa7: {  	s6 =	sshll.u32 s26, $0x1;
	_ =	strace $0x80000046;
	[dreg:$0x1] =	wrdreg $0xFFFFFFFF  }
0xa8: {  	s28 =	simm.s32 $_size_execute0_lowered;
	s4 =	sadd.s32 s4, s6;
	[dreg:$0x0] =	wrdreg $0x0  }
0xa9: {  	s6 =	sshll.u32 s28, $0x1;
	[dreg:$0x2] =	wrdreg s4  }
0xaa: {  	[dreg:$0x3] =	wrdreg s6  }
0xab: {  	[dreg:$0x4] =	wrdreg $0xC0  }
0xac: {  	_ =	task [dreg:s8], $0x5FFFF  }
0xad: {  	[dreg:$0x1] =	wrdreg $0xFFFFFFFF  }
0xae: {  	[dreg:$0x0] =	wrdreg $0x60  }
0xaf: {  	[dreg:$0x2] =	wrdreg s2  }
0xb0: {  	[dreg:$0x3] =	wrdreg s18  }
0xb1: {  	[dreg:$0x4] =	wrdreg s24  }
0xb2: {  	[dreg:$0x5] =	wrdreg $0x9  }
0xb3: {  	_ =	task.clear_ibuf [dreg:s8], $0x6FFFF;
	_ =	strace $0x90000046  }
0xb4: {  	s29 =	simm.s32 $0x9;
	_ =	strace $0x80000048  }
0xb5: {  	_ =	swait.ge [sflag:s29], $0x1  }
0xb6: {  	[sflag:s29] =	ssyncadd.s32 $0xFFFFFFFF  }
0xb7: {  	_ =	strace $0x90000048  }
0xb8: {  	_ =	sfence  }
0xb9: {  	s30 =	sld [smem:$0x0];
	_ =	sdelay $0x2  }
0xba: {  	s31 =	sshll.u32 s1, $0xD;
	s1 =	sshrl.u32 s1, $0x2  }
0xbb: {  	s3 =	sand.u32 $0x4000, s31;
	s1 =	sadd.s32 s1, s30  }
0xbc: {  	s0 =	sor.u32 s3, s0;
	s1 =	sshll.u32 s1, $0x11  }
0xbd: {  	s0 =	sor.u32 s1, s0  }
0xbe: {  	s0 =	sadd.s32 $0x8F2B, s0  }
0xbf: {  	[sflag:s0] =	ssyncadd.remote.s32 $0x1  }
0xc0: {  	_ =	sfence.sel $0xFFFF  }
0xc1: {  	[dreg:$0x0] =	wrdreg $0xFFFFFFFF;
	(pc) =	sbr.abs _section_cstart, $3  }
0xc2: {  	[dreg:$0x1] =	wrdreg $0xFFFFFFFF  }
0xc3: {  	_ =	task.clear_ibuf [dreg:s8], $0x2FFFF;
	_ =	strace $0x9FFFFFFF  }
0xc4: {  	(tm) =	ssettm $0x7FFFFFFF  }
0xc5: {  	_ =	shalt  }
tec
execute0_lowered:
.L_overlay_start_1:
0x0: {  	(tag) =	ssettag $0x1  }
0x1: {  	s3 =	rddreg [dreg:$0x0]  }
0x2: {  	s4 =	rddreg [dreg:$0x1]  }
0x3: {  	s5 =	rddreg [dreg:$0x2]  }
0x4: {  	s0 =	rddreg [dreg:$0x3]  }
0x5: {  	s6 =	srdreg.scid;
	s1 =	stileid.u32  }
0x6: {  	s2 =	simm.s32 $0x0;
	s10 =	simm.s32 $0x1;
	s11 =	simm.s32 $0x2  }
0x7: {  	s12 =	simm.s32 $0x4000;
	s13 =	simm.s32 $0x3;
	s14 =	simm.s32 $0x0  }
0x8: {  	s6 =	sand.u32 $0x1, s6;
	s7 =	sshll.u32 s1, $0x1;
	[smem:$0x7FF] =	sst s2  }
0x9: {  	s7 =	sor.u32 s6, s7;
	s6 =	ssub.s32 $0x2, s6;
	_ =	strace $0x80000047  }
0xa: {  	s8 =	sshll.u32 s7, $0x4;
	s9 =	sshrl.u32 s6, $0x1;
	s7 =	sshll.u32 s7, $0x7  }
0xb: {  	s5 =	sadd.s32 s8, s5;
	s6 =	ssub.s32 s6, s9;
	s3 =	sadd.s32 s3, s7  }
0xc: {  	s4 =	sadd.s32 s4, s7;
	s7 =	simm.s32 $0x400;
	s8 =	simm.s32 $0x20000  }
0xd: {  	s9 =	simm.s32 $0x2000;
	s5 =	sadd.s32 $0x800, s5;
	s6 =	smax.u32 s6, $0x1  }
.LBB2_1:
0xe: {  	[tilespmem:s2], [sflag:$0x1] =	stream.strided.gather [hbm4b:s3+s7], $0x2000, s8, s7, $0x38;
	[tilespmem:$0x4080] =	vst v63  }
0xf: {  	_ = 	snop  }
0x10: {  	[tilespmem:s9], [sflag:$0x2] =	stream.strided.gather [hbm4b:s4+s7], $0x2000, s8, s7, $0x38;
	[tilespmem:$0x4080] =	vst v63  }
0x11: {  	_ =	swait.ge [sflag:s10], $0x2000  }
0x12: {  	[sflag:s10] =	ssyncset.done $0x0  }
0x13: {  	[sflag:s10] =	ssyncadd.s32 $0xFFFFE000  }
0x14: {  	_ =	swait.ge [sflag:s11], $0x2000  }
0x15: {  	[sflag:s11] =	ssyncset.done $0x0  }
0x16: {  	s15 =	simm.s32 $0x0;
	[sflag:s11] =	ssyncadd.s32 $0xFFFFE000  }
.LBB2_2:
0x17: {  	s16 =	sshll.u32 s15, $0x4  }
0x18: {  	v0 =	vmov s16;
	_ =	sdelay $0x3  }
0x19: {  	s17 =	simm.s32 $0x0;
	p0 =	por $0x1, $0x1;
	v1 =	vimm.f32 $0.0e+00  }
.LBB2_3:
0x1a: {  	v2 =	vld.idx.msk [tilespmem:v0+s17+$0x0 ss:$0x1], $0xffff  }
0x1b: {  	s18 =	sadd.s32 s16, s17;
	v3 =	vld.idx.msk [tilespmem:v0+s17+$0x2000 ss:$0x1], $0xffff  }
0x1c: {  	v5 =	vld.idx.msk [tilespmem:v0+s17+$0x2080 ss:$0x1], $0xffff;
	s19 =	sor.u32 $0x80, s18  }
0x1d: {  	v4 =	vld [tilespmem:s19+$0x0]  }
0x1e: {  	v7 =	vld.idx.msk [tilespmem:v0+s17+$0x2100 ss:$0x1], $0xffff;
	s24 =	sor.u32 $0x100, s18  }
0x1f: {  	v6 =	vld [tilespmem:s24+$0x0]  }
0x20: {  	v8 =	vld.idx.msk [tilespmem:v0+s17+$0x2180 ss:$0x1], $0xffff;
	s25 =	sor.u32 $0x180, s18;
	v2 =	vmul.f32 v3, v2  }
0x21: {  	v3 =	vld [tilespmem:s25+$0x0]  }
0x22: {  	v18 =	vld.idx.msk [tilespmem:v0+s17+$0x2200 ss:$0x1], $0xffff;
	s26 =	sor.u32 $0x200, s18;
	v1 =	vadd.f32 v2, v1;
	v2 =	vmul.f32 v5, v4  }
0x23: {  	v17 =	vld [tilespmem:s26+$0x0]  }
0x24: {  	v20 =	vld.idx.msk [tilespmem:v0+s17+$0x2280 ss:$0x1], $0xffff;
	s28 =	sor.u32 $0x280, s18;
	v1 =	vadd.f32 v2, v1;
	v2 =	vmul.f32 v7, v6  }
0x25: {  	v19 =	vld [tilespmem:s28+$0x0]  }
0x26: {  	v21 =	vld.idx.msk [tilespmem:v0+s17+$0x2300 ss:$0x1], $0xffff;
	s29 =	sor.u32 $0x300, s18;
	v1 =	vadd.f32 v2, v1;
	v2 =	vmul.f32 v8, v3  }
0x27: {  	v3 =	vld [tilespmem:s29+$0x0]  }
0x28: {  	v23 =	vld.idx.msk [tilespmem:v0+s17+$0x2380 ss:$0x1], $0xffff;
	s30 =	sor.u32 $0x380, s18;
	v1 =	vadd.f32 v2, v1;
	v2 =	vmul.f32 v18, v17  }
0x29: {  	v22 =	vld [tilespmem:s30+$0x0]  }
0x2a: {  	v25 =	vld.idx.msk [tilespmem:v0+s17+$0x2400 ss:$0x1], $0xffff;
	s31 =	sor.u32 $0x400, s18;
	v1 =	vadd.f32 v2, v1;
	v2 =	vmul.f32 v20, v19  }
0x2b: {  	v24 =	vld [tilespmem:s31+$0x0]  }
0x2c: {  	v26 =	vld.idx.msk [tilespmem:v0+s17+$0x2480 ss:$0x1], $0xffff;
	s20 =	sor.u32 $0x480, s18;
	v1 =	vadd.f32 v2, v1;
	v2 =	vmul.f32 v21, v3  }
0x2d: {  	v3 =	vld [tilespmem:s20+$0x0]  }
0x2e: {  	v28 =	vld.idx.msk [tilespmem:v0+s17+$0x2500 ss:$0x1], $0xffff;
	s21 =	sor.u32 $0x500, s18;
	v1 =	vadd.f32 v2, v1;
	v2 =	vmul.f32 v23, v22  }
0x2f: {  	v27 =	vld [tilespmem:s21+$0x0]  }
0x30: {  	v30 =	vld.idx.msk [tilespmem:v0+s17+$0x2580 ss:$0x1], $0xffff;
	s22 =	sor.u32 $0x580, s18;
	v1 =	vadd.f32 v2, v1;
	v2 =	vmul.f32 v25, v24  }
0x31: {  	v29 =	vld [tilespmem:s22+$0x0]  }
0x32: {  	v31 =	vld.idx.msk [tilespmem:v0+s17+$0x2600 ss:$0x1], $0xffff;
	s23 =	sor.u32 $0x600, s18;
	v1 =	vadd.f32 v2, v1;
	v2 =	vmul.f32 v26, v3  }
0x33: {  	v3 =	vld [tilespmem:s23+$0x0]  }
0x34: {  	v33 =	vld.idx.msk [tilespmem:v0+s17+$0x2680 ss:$0x1], $0xffff;
	s24 =	sor.u32 $0x680, s18;
	v1 =	vadd.f32 v2, v1;
	v2 =	vmul.f32 v28, v27  }
0x35: {  	v32 =	vld [tilespmem:s24+$0x0]  }
0x36: {  	v35 =	vld.idx.msk [tilespmem:v0+s17+$0x2700 ss:$0x1], $0xffff;
	s25 =	sor.u32 $0x700, s18;
	v1 =	vadd.f32 v2, v1;
	v2 =	vmul.f32 v30, v29  }
0x37: {  	v34 =	vld [tilespmem:s25+$0x0]  }
0x38: {  	v36 =	vld.idx.msk [tilespmem:v0+s17+$0x2780 ss:$0x1], $0xffff;
	s26 =	sor.u32 $0x780, s18;
	v1 =	vadd.f32 v2, v1;
	v2 =	vmul.f32 v31, v3  }
0x39: {  	v3 =	vld [tilespmem:s26+$0x0]  }
0x3a: {  	v38 =	vld.idx.msk [tilespmem:v0+s17+$0x2800 ss:$0x1], $0xffff;
	s28 =	sor.u32 $0x800, s18;
	v1 =	vadd.f32 v2, v1;
	v2 =	vmul.f32 v33, v32  }
0x3b: {  	v37 =	vld [tilespmem:s28+$0x0]  }
0x3c: {  	v40 =	vld.idx.msk [tilespmem:v0+s17+$0x2880 ss:$0x1], $0xffff;
	s29 =	sor.u32 $0x880, s18;
	v1 =	vadd.f32 v2, v1;
	v2 =	vmul.f32 v35, v34  }
0x3d: {  	v39 =	vld [tilespmem:s29+$0x0]  }
0x3e: {  	v41 =	vld.idx.msk [tilespmem:v0+s17+$0x2900 ss:$0x1], $0xffff;
	s30 =	sor.u32 $0x900, s18;
	v1 =	vadd.f32 v2, v1;
	v2 =	vmul.f32 v36, v3  }
0x3f: {  	v3 =	vld [tilespmem:s30+$0x0]  }
0x40: {  	v43 =	vld.idx.msk [tilespmem:v0+s17+$0x2980 ss:$0x1], $0xffff;
	s31 =	sor.u32 $0x980, s18;
	v1 =	vadd.f32 v2, v1;
	v2 =	vmul.f32 v38, v37  }
0x41: {  	v42 =	vld [tilespmem:s31+$0x0]  }
0x42: {  	v45 =	vld.idx.msk [tilespmem:v0+s17+$0x2A00 ss:$0x1], $0xffff;
	s20 =	sor.u32 $0xA00, s18;
	v1 =	vadd.f32 v2, v1;
	v2 =	vmul.f32 v40, v39  }
0x43: {  	v44 =	vld [tilespmem:s20+$0x0]  }
0x44: {  	v46 =	vld.idx.msk [tilespmem:v0+s17+$0x2A80 ss:$0x1], $0xffff;
	s21 =	sor.u32 $0xA80, s18;
	v1 =	vadd.f32 v2, v1;
	v2 =	vmul.f32 v41, v3  }
0x45: {  	v3 =	vld [tilespmem:s21+$0x0]  }
0x46: {  	v48 =	vld.idx.msk [tilespmem:v0+s17+$0x2B00 ss:$0x1], $0xffff;
	s22 =	sor.u32 $0xB00, s18;
	v1 =	vadd.f32 v2, v1;
	v2 =	vmul.f32 v43, v42  }
0x47: {  	v47 =	vld [tilespmem:s22+$0x0]  }
0x48: {  	v50 =	vld.idx.msk [tilespmem:v0+s17+$0x2B80 ss:$0x1], $0xffff;
	s23 =	sor.u32 $0xB80, s18;
	v1 =	vadd.f32 v2, v1;
	v2 =	vmul.f32 v45, v44  }
0x49: {  	v49 =	vld [tilespmem:s23+$0x0]  }
0x4a: {  	v51 =	vld.idx.msk [tilespmem:v0+s17+$0x2C00 ss:$0x1], $0xffff;
	s24 =	sor.u32 $0xC00, s18;
	v1 =	vadd.f32 v2, v1;
	v2 =	vmul.f32 v46, v3  }
0x4b: {  	v3 =	vld [tilespmem:s24+$0x0]  }
0x4c: {  	v53 =	vld.idx.msk [tilespmem:v0+s17+$0x2C80 ss:$0x1], $0xffff;
	s25 =	sor.u32 $0xC80, s18;
	v1 =	vadd.f32 v2, v1;
	v2 =	vmul.f32 v48, v47  }
0x4d: {  	v52 =	vld [tilespmem:s25+$0x0]  }
0x4e: {  	v55 =	vld.idx.msk [tilespmem:v0+s17+$0x2D00 ss:$0x1], $0xffff;
	s26 =	sor.u32 $0xD00, s18;
	v1 =	vadd.f32 v2, v1;
	v2 =	vmul.f32 v50, v49  }
0x4f: {  	v54 =	vld [tilespmem:s26+$0x0]  }
0x50: {  	v56 =	vld.idx.msk [tilespmem:v0+s17+$0x2D80 ss:$0x1], $0xffff;
	s28 =	sor.u32 $0xD80, s18;
	v1 =	vadd.f32 v2, v1;
	v2 =	vmul.f32 v51, v3  }
0x51: {  	v3 =	vld [tilespmem:s28+$0x0]  }
0x52: {  	v58 =	vld.idx.msk [tilespmem:v0+s17+$0x2E00 ss:$0x1], $0xffff;
	s29 =	sor.u32 $0xE00, s18;
	v1 =	vadd.f32 v2, v1;
	v2 =	vmul.f32 v53, v52  }
0x53: {  	v57 =	vld [tilespmem:s29+$0x0]  }
0x54: {  	v60 =	vld.idx.msk [tilespmem:v0+s17+$0x2E80 ss:$0x1], $0xffff;
	s30 =	sor.u32 $0xE80, s18;
	v1 =	vadd.f32 v2, v1;
	v2 =	vmul.f32 v55, v54  }
0x55: {  	v59 =	vld [tilespmem:s30+$0x0]  }
0x56: {  	v61 =	vld.idx.msk [tilespmem:v0+s17+$0x2F00 ss:$0x1], $0xffff;
	s31 =	sor.u32 $0xF00, s18;
	v1 =	vadd.f32 v2, v1;
	v2 =	vmul.f32 v56, v3  }
0x57: {  	v3 =	vld [tilespmem:s31+$0x0]  }
0x58: {  	v63 =	vld.idx.msk [tilespmem:v0+s17+$0x2F80 ss:$0x1], $0xffff;
	s18 =	sor.u32 $0xF80, s18;
	v1 =	vadd.f32 v2, v1;
	v2 =	vmul.f32 v58, v57  }
0x59: {  	v62 =	vld [tilespmem:s18+$0x0]  }
0x5a: {  	v1 =	vadd.f32 v2, v1;
	v2 =	vmul.f32 v60, v59  }
0x5b: {  	p1 =	por p0, p0  }
.Ltmp0:
0x5c: {  	v1 =	vadd.f32 v2, v1;
	v2 =	vmul.f32 v61, v3;
	(pc) =	sbr.rel @p1 .LBB2_3-.Ltmp0, $3  }
0x5d: {  	_ = 	snop  }
0x5e: {  	v1 =	vadd.f32 v2, v1;
	v2 =	vmul.f32 v63, v62;
	_ =	sdelay $0x1  }
0x5f: {  	s17 =	simm.s32 $0x1000;
	p0 =	por $0x0, $0x0;
	v1 =	vadd.f32 v2, v1  }
0x60: {  	s15 =	sadd.s32 $0x1, s15  }
0x61: {  	p0 =	sne.s32 s15, $0x8  }
.Ltmp1:
0x62: {  	_ = 	snop;
	(pc) =	sbr.rel @p0 .LBB2_2-.Ltmp1, $2  }
0x63: {  	_ =	sdelay $0x2  }
0x64: {  	[tilespmem:s16+$0x4000] =	vst v1  }
0x65: {  	s14 =	sadd.s32 $0x1, s14  }
0x66: {  	p0 =	sne.s32 s14, s6  }
.Ltmp2:
0x67: {  	_ = 	snop;
	(pc) =	sbr.rel @p0 .LBB2_1-.Ltmp2, $4  }
0x68: {  	[hbm4b:s5+s2] =	stream.linear.scatter [tilespmem:s12], [sflag:$0x3], $0x80, $0x38;
	[tilespmem:$0x4080] =	vst v63  }
0x69: {  	_ =	swait.ge [sflag:s13], $0x80  }
0x6a: {  	[sflag:s13] =	ssyncset.done $0x0  }
0x6b: {  	[sflag:s13] =	ssyncadd.s32 $0xFFFFFF80  }
0x6c: {  	_ =	sfence.sel $0x180000  }
0x6d: {  	[bflag:$0x0] =	sbarrier.arrive $0xFFFF  }
0x6e: {  	p0 =	sne.s32 s1, $0x0;
	_ =	strace $0x90000047  }
0x6f: {  	s0 =	sadd.s32 @!p0 $0x100000, s0;
	[bflag:$0x2] =	sbarrier.arrive $0xFFFF  }
0x70: {  	[sflag:s0] =	ssyncadd.tile.s32 @!p0 $0x1;
	_ =	shalt  }
.Lfunc_end2:
_tile_overlayer_lowered:
.L_overlay_start_2:
0x71: {  	(tag) =	ssettag $0x2  }
0x72: {  	s0 =	rddreg [dreg:$0x0];
	s2 =	stileid.u32  }
0x73: {  	s1 =	rddreg [dreg:$0x1];
	p0 =	sne.s32 s2, $0x0  }
0x74: {  	s3 =	rddreg [dreg:$0x2];
	[bflag:$0x3] =	sbarrier.arrive $0xFFFF;
	s2 =	simm.s32 @!p0 $0x1C03  }
0x75: {  	[timem:s3], [sflag:s2] =	dma.local @!p0 [hbm:s0], s1  }
0x76: {  	s0 =	simm.s32 @!p0 $0x3  }
0x77: {  	_ =	swait.ge @!p0 [sflag:s0], s1  }
0x78: {  	s1 =	ssub.s32 @!p0 $0x0, s1;
	[sflag:s0] =	ssyncset.done @!p0 $0x0  }
0x79: {  	[sflag:s0] =	ssyncadd.s32 @!p0 s1  }
0x7a: {  	[bflag:$0x3] =	sbarrier.arrive $0xFFFF  }
0x7b: {  	_ =	shalt  }

</sc_bundles>
